<compile_context>
chip_gen: v7x
topology: tpu7x:2x2x1
jax: 0.10.2.dev20260603
libtpu: 0.0.44.dev20260713+nightly
codegen_flags: <defaults>
</compile_context>

<pallas_src>
import functools

import jax
import jax.numpy as jnp
from jax import lax
from jax.experimental import pallas as pl
from jax.experimental.pallas import tpu as pltpu
from jax.experimental.pallas import tpu_sc as plsc

_V = 1_000_000
_VPAD = 1_000_448
_B = 16384
_NC = 2
_NS = 16
_L = 16
_NW = _NC * _NS
_BPW = _B // _NW

_mesh = plsc.VectorSubcoreMesh(core_axis_name="c", subcore_axis_name="s")


@functools.partial(
    pl.kernel,
    out_type=jax.ShapeDtypeStruct((_B,), jnp.float32),
    mesh=_mesh,
    scratch_types=[
        pltpu.VMEM((_BPW,), jnp.int32),
        pltpu.VMEM((_BPW,), jnp.int32),
        pltpu.VMEM((_BPW,), jnp.float32),
        pltpu.VMEM((_BPW,), jnp.float32),
        pltpu.VMEM((_BPW,), jnp.float32),
        pltpu.VMEM((_BPW,), jnp.float32),
        pltpu.SemaphoreType.DMA,
        pltpu.SemaphoreType.DMA,
    ],
)
def _loss_kernel(fi_hbm, ci_hbm, lc_hbm, fb_hbm, cb_hbm, out_hbm,
                 fi_v, ci_v, fbv, cbv, lcv, outv, sem_f, sem_c):
    wid = lax.axis_index("s") * _NC + lax.axis_index("c")
    base = wid * _BPW
    lf = pltpu.async_copy(fi_hbm.at[pl.ds(base, _BPW)], fi_v, sem_f)
    lc_ = pltpu.async_copy(ci_hbm.at[pl.ds(base, _BPW)], ci_v, sem_c)
    lf.wait()
    lc_.wait()
    gf = pltpu.async_copy(fb_hbm.at[fi_v], fbv, sem_f)
    gc = pltpu.async_copy(cb_hbm.at[ci_v], cbv, sem_c)
    pltpu.sync_copy(lc_hbm.at[pl.ds(base, _BPW)], lcv)
    gf.wait()
    gc.wait()

    @pl.loop(0, _BPW, step=_L)
    def _(c):
        s = pl.ds(c, _L)
        t = fbv[s] - 1.0 + cbv[s] - lcv[s]
        outv[s] = t * t

    pltpu.sync_copy(outv, out_hbm.at[pl.ds(base, _BPW)])


def kernel(focal_input, context_input, log_coocurrence_count, focal_table,
           context_table, focal_bias_table, context_bias_table):
    fi = focal_input.astype(jnp.int32)
    ci = context_input.astype(jnp.int32)
    lc = log_coocurrence_count.reshape(_B)
    pad = ((0, _VPAD - _V), (0, 0))
    fb = jnp.pad(focal_bias_table, pad).reshape(_VPAD)
    cb = jnp.pad(context_bias_table, pad).reshape(_VPAD)
    out = _loss_kernel(fi, ci, lc, fb, cb)
    return out.reshape(_B, 1)

# --- scband reference (transcript-rebuilt; emitter-appended) ---
"""Pipeline reference for scband-manifold-embedding-69329362092065 (READ-ONLY COPY).

The authoritative reference and input builder live on the scoring server;
editing this copy changes nothing except your own understanding.
"""

import jax, jax.numpy as jnp
import numpy as np

V = 1000000
D = 64
B = 16384

def _normalize(a):
    return a / jnp.sqrt(jnp.sum(a ** 2, axis=1, keepdims=True))

def setup_inputs(seed: int = 0) -> dict:
    key = jax.random.key(seed)
    k1, k2, k3, k4, k5, k6, k7 = jax.random.split(key, 7)
    return {
        "focal_input": jax.random.randint(k1, (B,), 0, V),
        "context_input": jax.random.randint(k2, (B,), 0, V),
        "log_coocurrence_count": jax.random.uniform(k3, (B, 1), dtype=jnp.float32),
        "focal_table": jax.random.normal(k4, (V, D), dtype=jnp.float32) * 0.02,
        "context_table": jax.random.normal(k5, (V, D), dtype=jnp.float32) * 0.02,
        "focal_bias_table": jax.random.normal(k6, (V, 1), dtype=jnp.float32) * 0.02,
        "context_bias_table": jax.random.normal(k7, (V, 1), dtype=jnp.float32) * 0.02,
    }

def reference(focal_input, context_input, log_coocurrence_count, focal_table, context_table, focal_bias_table, context_bias_table):
    focal_embed = _normalize(jnp.take(focal_table, focal_input, axis=0))
    context_embed = _normalize(jnp.take(context_table, context_input, axis=0))
    focal_bias = jnp.take(focal_bias_table, focal_input, axis=0)
    context_bias = jnp.take(context_bias_table, context_input, axis=0)
    # Euclidean manifold distance: torch.norm(b - a) over the whole tensor -> scalar
    d = jnp.sqrt(jnp.sum((context_embed - focal_embed) ** 2))
    # c == 0 -> else branch: d = d**2 / 2
    d = d ** 2 / 2.0
    # d / torch.norm(d): scalar norm is abs
    d = d / jnp.abs(d)
    loss = -d + focal_bias + context_bias - log_coocurrence_count
    return loss ** 2

if __name__ == "__main__":
    import jax
    _d = setup_inputs()
    print(jax.jit(kernel)(*tuple(_d.values())))

</pallas_src>

<mosaic_0001>
#map = affine_map<(d0, d1) -> (0)>
module attributes {stable_mosaic.version = 14 : i64} {
  func.func @_loss_kernel(%arg0: i32, %arg1: i32, %arg2: memref<16384xi32, #tpu.memory_space<hbm>>, %arg3: memref<16384xi32, #tpu.memory_space<hbm>>, %arg4: memref<16384xf32, #tpu.memory_space<hbm>>, %arg5: memref<1000448xf32, #tpu.memory_space<hbm>>, %arg6: memref<1000448xf32, #tpu.memory_space<hbm>>, %arg7: memref<16384xf32, #tpu.memory_space<hbm>>, %arg8: memref<512xi32, #tpu.memory_space<vmem>>, %arg9: memref<512xi32, #tpu.memory_space<vmem>>, %arg10: memref<512xf32, #tpu.memory_space<vmem>>, %arg11: memref<512xf32, #tpu.memory_space<vmem>>, %arg12: memref<512xf32, #tpu.memory_space<vmem>>, %arg13: memref<512xf32, #tpu.memory_space<vmem>>, %arg14: memref<!tpu.dma_semaphore, #tpu.memory_space<semaphore_mem>>, %arg15: memref<!tpu.dma_semaphore, #tpu.memory_space<semaphore_mem>>) attributes {dimension_semantics = [#tpu.dimension_semantics<core_parallel>, #tpu.dimension_semantics<subcore_parallel>], iteration_bounds = array<i64: 2, 16>, scalar_prefetch = 0 : i64, scratch_operands = 8 : i64, tpu.core_type = #tpu.core_type<sc_vector_subcore>, window_params = [{transform_indices = #map}, {transform_indices = #map}, {transform_indices = #map}, {transform_indices = #map}, {transform_indices = #map}, {transform_indices = #map}]} {
    %mul3A = arith.constant 2 : i32
    %mul3A_0 = arith.muli %arg1, %mul3A : i32
    %add3A = arith.addi %mul3A_0, %arg0 : i32
    %mul3A_1 = arith.constant 512 : i32
    %mul3A_2 = arith.muli %add3A, %mul3A_1 : i32
    %dma_start3A = tpu.memref_slice %arg2[%mul3A_2] : memref<16384xi32, #tpu.memory_space<hbm>> -> memref<512xi32, #tpu.memory_space<hbm>>
    %dma_start3A_3 = tpu.memref_slice %arg2[%mul3A_2] : memref<16384xi32, #tpu.memory_space<hbm>> -> memref<512xi32, #tpu.memory_space<hbm>>
    tpu.enqueue_dma source(%dma_start3A_3 : memref<512xi32, #tpu.memory_space<hbm>>) target(%arg8 : memref<512xi32, #tpu.memory_space<vmem>>) target_semaphore(%arg14 : memref<!tpu.dma_semaphore, #tpu.memory_space<semaphore_mem>>)
    %dma_start3A_4 = tpu.memref_slice %arg3[%mul3A_2] : memref<16384xi32, #tpu.memory_space<hbm>> -> memref<512xi32, #tpu.memory_space<hbm>>
    %dma_start3A_5 = tpu.memref_slice %arg3[%mul3A_2] : memref<16384xi32, #tpu.memory_space<hbm>> -> memref<512xi32, #tpu.memory_space<hbm>>
    tpu.enqueue_dma source(%dma_start3A_5 : memref<512xi32, #tpu.memory_space<hbm>>) target(%arg9 : memref<512xi32, #tpu.memory_space<vmem>>) target_semaphore(%arg15 : memref<!tpu.dma_semaphore, #tpu.memory_space<semaphore_mem>>)
    %dma_wait3A = tpu.memref_slice %arg2[%mul3A_2] : memref<16384xi32, #tpu.memory_space<hbm>> -> memref<512xi32, #tpu.memory_space<hbm>>
    %dma_wait3A_6 = tpu.memref_slice %arg2[%mul3A_2] : memref<16384xi32, #tpu.memory_space<hbm>> -> memref<512xi32, #tpu.memory_space<hbm>>
    tpu.wait_dma2 semaphore(%arg14 : memref<!tpu.dma_semaphore, #tpu.memory_space<semaphore_mem>>) src(%dma_wait3A_6 : memref<512xi32, #tpu.memory_space<hbm>>) dst(%arg8 : memref<512xi32, #tpu.memory_space<vmem>>)
    %dma_wait3A_7 = tpu.memref_slice %arg3[%mul3A_2] : memref<16384xi32, #tpu.memory_space<hbm>> -> memref<512xi32, #tpu.memory_space<hbm>>
    %dma_wait3A_8 = tpu.memref_slice %arg3[%mul3A_2] : memref<16384xi32, #tpu.memory_space<hbm>> -> memref<512xi32, #tpu.memory_space<hbm>>
    tpu.wait_dma2 semaphore(%arg15 : memref<!tpu.dma_semaphore, #tpu.memory_space<semaphore_mem>>) src(%dma_wait3A_8 : memref<512xi32, #tpu.memory_space<hbm>>) dst(%arg9 : memref<512xi32, #tpu.memory_space<vmem>>)
    %dma_start3A_9 = arith.constant 0 : i32
    %dma_start3A_10 = tpu.memref_slice %arg5[%dma_start3A_9] : memref<1000448xf32, #tpu.memory_space<hbm>> -> memref<1000448xf32, #tpu.memory_space<hbm>>
    tpu.enqueue_indirect_dma source(%dma_start3A_10 : memref<1000448xf32, #tpu.memory_space<hbm>>) target(%arg10 : memref<512xf32, #tpu.memory_space<vmem>>) offsets(%arg8 : memref<512xi32, #tpu.memory_space<vmem>>) semaphore(%arg14 : memref<!tpu.dma_semaphore, #tpu.memory_space<semaphore_mem>>)
    %dma_start3A_11 = arith.constant 0 : i32
    %dma_start3A_12 = tpu.memref_slice %arg6[%dma_start3A_11] : memref<1000448xf32, #tpu.memory_space<hbm>> -> memref<1000448xf32, #tpu.memory_space<hbm>>
    tpu.enqueue_indirect_dma source(%dma_start3A_12 : memref<1000448xf32, #tpu.memory_space<hbm>>) target(%arg11 : memref<512xf32, #tpu.memory_space<vmem>>) offsets(%arg9 : memref<512xi32, #tpu.memory_space<vmem>>) semaphore(%arg15 : memref<!tpu.dma_semaphore, #tpu.memory_space<semaphore_mem>>)
    "tpu.region"() ({
      %run_scoped3A = tpu.sem_alloc : memref<!tpu.dma_semaphore, #tpu.memory_space<semaphore_mem>>
      %dma_start3A_21 = tpu.memref_slice %arg4[%mul3A_2] : memref<16384xf32, #tpu.memory_space<hbm>> -> memref<512xf32, #tpu.memory_space<hbm>>
      %dma_start3A_22 = tpu.memref_slice %arg4[%mul3A_2] : memref<16384xf32, #tpu.memory_space<hbm>> -> memref<512xf32, #tpu.memory_space<hbm>>
      tpu.enqueue_dma source(%dma_start3A_22 : memref<512xf32, #tpu.memory_space<hbm>>) target(%arg12 : memref<512xf32, #tpu.memory_space<vmem>>) target_semaphore(%run_scoped3A : memref<!tpu.dma_semaphore, #tpu.memory_space<semaphore_mem>>)
      %dma_wait3A_23 = tpu.memref_slice %arg4[%mul3A_2] : memref<16384xf32, #tpu.memory_space<hbm>> -> memref<512xf32, #tpu.memory_space<hbm>>
      %dma_wait3A_24 = tpu.memref_slice %arg4[%mul3A_2] : memref<16384xf32, #tpu.memory_space<hbm>> -> memref<512xf32, #tpu.memory_space<hbm>>
      tpu.wait_dma2 semaphore(%run_scoped3A : memref<!tpu.dma_semaphore, #tpu.memory_space<semaphore_mem>>) src(%dma_wait3A_24 : memref<512xf32, #tpu.memory_space<hbm>>) dst(%arg12 : memref<512xf32, #tpu.memory_space<vmem>>)
      tpu.yield
    }) : () -> ()
    %dma_wait3A_13 = arith.constant 0 : i32
    %dma_wait3A_14 = tpu.memref_slice %arg5[%dma_wait3A_13] : memref<1000448xf32, #tpu.memory_space<hbm>> -> memref<1000448xf32, #tpu.memory_space<hbm>>
    tpu.wait_indirect_dma semaphore(%arg14 : memref<!tpu.dma_semaphore, #tpu.memory_space<semaphore_mem>>) src(%dma_wait3A_14 : memref<1000448xf32, #tpu.memory_space<hbm>>) dst(%arg10 : memref<512xf32, #tpu.memory_space<vmem>>)
    %dma_wait3A_15 = arith.constant 0 : i32
    %dma_wait3A_16 = tpu.memref_slice %arg6[%dma_wait3A_15] : memref<1000448xf32, #tpu.memory_space<hbm>> -> memref<1000448xf32, #tpu.memory_space<hbm>>
    tpu.wait_indirect_dma semaphore(%arg15 : memref<!tpu.dma_semaphore, #tpu.memory_space<semaphore_mem>>) src(%dma_wait3A_16 : memref<1000448xf32, #tpu.memory_space<hbm>>) dst(%arg11 : memref<512xf32, #tpu.memory_space<vmem>>)
    %scan3A = arith.constant 0 : i32
    %scan3A_17 = arith.constant 32 : i32
    %scan3A_18 = arith.addi %scan3A, %scan3A_17 : i32
    %scan3A_19 = arith.constant 1 : i32
    scf.for %scan3A_21 = %scan3A to %scan3A_18 step %scan3A_19  : i32 {
      %mul3A_22 = arith.constant 16 : i32
      %mul3A_23 = arith.muli %scan3A_21, %mul3A_22 : i32
      %add3A_24 = arith.constant 0 : i32
      %add3A_25 = arith.addi %add3A_24, %mul3A_23 : i32
      %get3A = arith.index_cast %add3A_25 : i32 to index
      %get3A_26 = tpu.vector_load %arg10[%get3A] {strides = array<i32>} : memref<512xf32, #tpu.memory_space<vmem>>, vector<16xf32>,
      %get3A_27 = vector.shape_cast %get3A_26 : vector<16xf32> to vector<16xf32>
      %sub3A = arith.constant 1.000000e+00 : f32
      %sub3A_28 = vector.broadcast %sub3A : f32 to vector<16xf32>
      %sub3A_29 = arith.subf %get3A_27, %sub3A_28 : vector<16xf32>
      %get3A_30 = arith.index_cast %add3A_25 : i32 to index
      %get3A_31 = tpu.vector_load %arg11[%get3A_30] {strides = array<i32>} : memref<512xf32, #tpu.memory_space<vmem>>, vector<16xf32>,
      %get3A_32 = vector.shape_cast %get3A_31 : vector<16xf32> to vector<16xf32>
      %add3A_33 = arith.addf %sub3A_29, %get3A_32 : vector<16xf32>
      %get3A_34 = arith.index_cast %add3A_25 : i32 to index
      %get3A_35 = tpu.vector_load %arg12[%get3A_34] {strides = array<i32>} : memref<512xf32, #tpu.memory_space<vmem>>, vector<16xf32>,
      %get3A_36 = vector.shape_cast %get3A_35 : vector<16xf32> to vector<16xf32>
      %sub3A_37 = arith.subf %add3A_33, %get3A_36 : vector<16xf32>
      %mul3A_38 = arith.mulf %sub3A_37, %sub3A_37 : vector<16xf32>
      %swap3A = arith.index_cast %add3A_25 : i32 to index
      %swap3A_39 = tpu.vector_load %arg13[%swap3A] {strides = array<i32>} : memref<512xf32, #tpu.memory_space<vmem>>, vector<16xf32>,
      %swap3A_40 = vector.shape_cast %swap3A_39 : vector<16xf32> to vector<16xf32>
      %swap3A_41 = vector.shape_cast %mul3A_38 : vector<16xf32> to vector<16xf32>
      tpu.vector_store %arg13[%swap3A], %swap3A_41 {strides = array<i32>} : memref<512xf32, #tpu.memory_space<vmem>>, vector<16xf32>,
    }
    %scan3A_20 = arith.constant 32 : i32
    "tpu.region"() ({
      %run_scoped3A = tpu.sem_alloc : memref<!tpu.dma_semaphore, #tpu.memory_space<semaphore_mem>>
      %dma_start3A_21 = tpu.memref_slice %arg7[%mul3A_2] : memref<16384xf32, #tpu.memory_space<hbm>> -> memref<512xf32, #tpu.memory_space<hbm>>
      %dma_start3A_22 = tpu.memref_slice %arg7[%mul3A_2] : memref<16384xf32, #tpu.memory_space<hbm>> -> memref<512xf32, #tpu.memory_space<hbm>>
      tpu.enqueue_dma source(%arg13 : memref<512xf32, #tpu.memory_space<vmem>>) target(%dma_start3A_22 : memref<512xf32, #tpu.memory_space<hbm>>) target_semaphore(%run_scoped3A : memref<!tpu.dma_semaphore, #tpu.memory_space<semaphore_mem>>)
      %dma_wait3A_23 = tpu.memref_slice %arg7[%mul3A_2] : memref<16384xf32, #tpu.memory_space<hbm>> -> memref<512xf32, #tpu.memory_space<hbm>>
      %dma_wait3A_24 = tpu.memref_slice %arg7[%mul3A_2] : memref<16384xf32, #tpu.memory_space<hbm>> -> memref<512xf32, #tpu.memory_space<hbm>>
      tpu.wait_dma2 semaphore(%run_scoped3A : memref<!tpu.dma_semaphore, #tpu.memory_space<semaphore_mem>>) src(%arg13 : memref<512xf32, #tpu.memory_space<vmem>>) dst(%dma_wait3A_24 : memref<512xf32, #tpu.memory_space<hbm>>)
      tpu.yield
    }) : () -> ()
    return
  }
}

</mosaic_0001>

<sc_bundles>
// kernel: kernel.3.cloned.1.call-start
scs
__scs_entry_jumppad:
0x0: {  	(pc) =	sbr.rel $0x88, $3  }
0x1: {  	(tag) =	ssettag $0x0;
	lr =	simm.s32 $0x1  }
0x2: {  	[smem:$0x3F9C] =	sst lr;
	_ =	strace $0xD0000000  }
0x3: {  	_ = 	snop  }
0x4: {  	_ = 	snop  }
0x5: {  	_ = 	snop  }
0x6: {  	_ = 	snop  }
0x7: {  	_ = 	snop  }
__scs_overlays_trampoline_lowered:
0x8: {  	[smem:$0x3FAB] =	sst s0  }
0x9: {  	[smem:$0x3FAC] =	sst s1  }
0xa: {  	[smem:$0x3FAD] =	sst s2  }
0xb: {  	[smem:$0x3FAE] =	sst s3  }
0xc: {  	[smem:$0x3FAF] =	sst s4  }
0xd: {  	[smem:$0x3FB0] =	sst s5  }
0xe: {  	[smem:$0x3FB1] =	sst s6  }
0xf: {  	[smem:$0x3FB2] =	sst s7  }
0x10: {  	[smem:$0x3FB3] =	sst s8  }
0x11: {  	[smem:$0x3FB4] =	sst s9;
	s0 =	simm.s32 @!p0 $0x0  }
0x12: {  	s1 =	sld [smem:$0x3F9A];
	s0 =	simm.s32 @p0 $0x1  }
0x13: {  	[smem:$0x3FB5] =	sst s0;
	s0 =	simm.s32 @!p1 $0x0  }
0x14: {  	s2 =	sld [smem:$0x3F99];
	s0 =	simm.s32 @p1 $0x1  }
0x15: {  	[smem:$0x3FB6] =	sst s0;
	s0 =	simm.s32 @!p2 $0x0  }
0x16: {  	s3 =	sld [smem:$0x3FDB];
	s0 =	simm.s32 @p2 $0x1  }
0x17: {  	s4 =	simm.s32 $0x1BF5;
	[smem:$0x3FB8] =	sst s0  }
0x18: {  	s0 =	sld [smem:$0x3F9B];
	_ =	swait.ge [sflag:s4], $0x0  }
0x19: {  	s7 =	sld [smem:$0x3F9C]  }
0x1a: {  	s8 =	sadd.s32 $0xFFFFE003, lr  }
0x1b: {  	s9 =	sadd.s32 $0xFFFFFEF7, lr;
	s5 =	simm.s32 $0xFFFFFFFF;
	p2 =	slt.u32 s8, $0xFFFFF086  }
0x1c: {  	p1 =	slt.u32 s9, $0xF7A;
	s5 =	simm.s32 @!p2 $0x0  }
0x1d: {  	s5 =	simm.s32 @p1 $0x1;
	p0 =	seq.s32 s7, s2  }
0x1e: {  	s7 =	smul.u32 @!p0 $0xF7A, s2;
	p2 =	seq.s32 @!p0 s5, $0x0  }
0x1f: {  	s9 =	smul.u32 $0xF7A, s1;
	s8 =	simm.s32 @!p0 $0x1BF5;
	p2 =	por !p2, p0  }
0x20: {  	[sflag:s8] =	ssyncset.s32 @!p0 $0xFFFFF086;
	s6 =	sadd.s32 @!p0 s3, s7;
	s7 =	simm.s32 @!p0 $0x108  }
0x21: {  	s3 =	sadd.s32 s3, s9;
	s6 =	sadd.s32 @!p0 $0x88, s6;
	s7 =	simm.s32 @p2 $0x1082  }
0x22: {  	[simem:s7], [sflag:s8] =	dma.local @!p0 [hbm:s6], $0xF7A  }
0x23: {  	s9 =	sor.u32 $0xD0000000, s2;
	s6 =	simm.s32 $0x108;
	_ =	swait.ge @!p0 [sflag:s8], $0x0  }
0x24: {  	s3 =	sadd.s32 $0x88, s3;
	s6 =	simm.s32 @!p1 $0x1082;
	[sflag:s4] =	ssyncset.s32 $0xFFFFF086  }
0x25: {  	[simem:s6], [sflag:s4] =	dma.local [hbm:s3], $0xF7A  }
0x26: {  	[smem:$0x3F9C] =	sst s1;
	(tag) =	ssettag s2;
	_ =	strace s9  }
0x27: {  	s1 =	sld [smem:$0x3FAC]  }
0x28: {  	s2 =	sld [smem:$0x3FAD]  }
0x29: {  	s4 =	sld [smem:$0x3FAF]  }
0x2a: {  	p0 =	seq.s32 s5, $0x0;
	s5 =	sld [smem:$0x3FB0]  }
0x2b: {  	s6 =	sld [smem:$0x3FB1]  }
0x2c: {  	s7 =	sld [smem:$0x3FB2]  }
0x2d: {  	s3 =	simm.s32 $0x108;
	s8 =	sld [smem:$0x3FB3]  }
0x2e: {  	s3 =	simm.s32 @!p0 $0x1082;
	s9 =	sld [smem:$0x3FB4]  }
0x2f: {  	lr =	sadd.s32 s0, s3;
	s0 =	sld [smem:$0x3FAB]  }
0x30: {  	s3 =	sld [smem:$0x3FAE]  }
0x31: {  	[smem:$0x3FB7] =	sst s10  }
0x32: {  	s10 =	sld [smem:$0x3FB5];
	_ =	sdelay $0x3  }
0x33: {  	p0 =	seq.s32 s10, $0x1;
	s10 =	sld [smem:$0x3FB7];
	_ =	sdelay $0x3  }
0x34: {  	[smem:$0x3FB7] =	sst s10  }
0x35: {  	s10 =	sld [smem:$0x3FB6];
	_ =	sdelay $0x3  }
0x36: {  	p1 =	seq.s32 s10, $0x1;
	s10 =	sld [smem:$0x3FB7];
	_ =	sdelay $0x3  }
0x37: {  	[smem:$0x3FB7] =	sst s10  }
0x38: {  	s10 =	sld [smem:$0x3FB8]  }
0x39: {  	_ = 	snop;
	(pc) =	sbr.ind lr, $3  }
0x3a: {  	_ = 	snop  }
0x3b: {  	_ = 	snop  }
0x3c: {  	p2 =	seq.s32 s10, $0x1;
	s10 =	sld [smem:$0x3FB7]  }
0x3d: {  	_ =	shalt  }
0x3e: {  	_ =	shalt  }
0x3f: {  	_ =	shalt  }
0x40: {  	_ =	shalt  }
0x41: {  	_ =	shalt  }
0x42: {  	_ =	shalt  }
0x43: {  	_ =	shalt  }
0x44: {  	_ =	shalt  }
0x45: {  	_ =	shalt  }
0x46: {  	_ =	shalt  }
0x47: {  	_ =	shalt  }
0x48: {  	_ =	shalt  }
0x49: {  	_ =	shalt  }
0x4a: {  	_ =	shalt  }
0x4b: {  	_ =	shalt  }
0x4c: {  	_ =	shalt  }
0x4d: {  	_ =	shalt  }
0x4e: {  	_ =	shalt  }
0x4f: {  	_ =	shalt  }
0x50: {  	_ =	shalt  }
0x51: {  	_ =	shalt  }
0x52: {  	_ =	shalt  }
0x53: {  	_ =	shalt  }
0x54: {  	_ =	shalt  }
0x55: {  	_ =	shalt  }
0x56: {  	_ =	shalt  }
0x57: {  	_ =	shalt  }
0x58: {  	_ =	shalt  }
0x59: {  	_ =	shalt  }
0x5a: {  	_ =	shalt  }
0x5b: {  	_ =	shalt  }
0x5c: {  	_ =	shalt  }
0x5d: {  	_ =	shalt  }
0x5e: {  	_ =	shalt  }
0x5f: {  	_ =	shalt  }
0x60: {  	_ =	shalt  }
0x61: {  	_ =	shalt  }
0x62: {  	_ =	shalt  }
0x63: {  	_ =	shalt  }
0x64: {  	_ =	shalt  }
0x65: {  	_ =	shalt  }
0x66: {  	_ =	shalt  }
0x67: {  	_ =	shalt  }
0x68: {  	_ =	shalt  }
0x69: {  	_ =	shalt  }
0x6a: {  	_ =	shalt  }
0x6b: {  	_ =	shalt  }
0x6c: {  	_ =	shalt  }
0x6d: {  	_ =	shalt  }
0x6e: {  	_ =	shalt  }
0x6f: {  	_ =	shalt  }
0x70: {  	_ =	shalt  }
0x71: {  	_ =	shalt  }
0x72: {  	_ =	shalt  }
0x73: {  	_ =	shalt  }
0x74: {  	_ =	shalt  }
0x75: {  	_ =	shalt  }
0x76: {  	_ =	shalt  }
0x77: {  	_ =	shalt  }
0x78: {  	_ =	shalt  }
0x79: {  	_ =	shalt  }
0x7a: {  	_ =	shalt  }
0x7b: {  	_ =	shalt  }
0x7c: {  	_ =	shalt  }
0x7d: {  	_ =	shalt  }
0x7e: {  	_ =	shalt  }
0x7f: {  	_ =	shalt  }
0x80: {  	_ =	shalt  }
0x81: {  	_ =	shalt  }
0x82: {  	_ =	shalt  }
0x83: {  	_ =	shalt  }
0x84: {  	_ =	shalt  }
0x85: {  	_ =	shalt  }
0x86: {  	_ =	shalt  }
0x87: {  	_ =	shalt  }
.Lfunc_end0:
.L_simem_size_0:
called_computation_lowered:
.L_overlay_start_0:
0x88: {  	s2 =	sld [smem:$0x3FD9]  }
0x89: {  	s3 =	sld [smem:$0x3FFE];
	_ =	sdelay $0x1  }
0x8a: {  	s1 =	srdreg.scid  }
0x8b: {  	s0 =	sand.u32 $0x1, s1  }
0x8c: {  	s17 =	sshll.u32 s0, $0xA;
	s2 =	sadd.s32 s3, s2  }
0x8d: {  	s2 =	sadd.s32 s2, s17  }
0x8e: {  	[smem:$0x3FC3] =	sst s2  }
0x8f: {  	_ = 	snop  }
0x90: {  	s2 =	sld [smem:$0x3FC9]  }
0x91: {  	s18 =	sld [smem:$0x3FC8]  }
0x92: {  	s4 =	sld [smem:$0x3FC7]  }
0x93: {  	s5 =	sld [smem:$0x3FD0];
	(tm) =	ssettm $0x1  }
0x94: {  	s6 =	sld [smem:$0x3FFB];
	_ =	sdelay $0x3  }
0x95: {  	_ =	strace s6  }
0x96: {  	s6 =	sld [smem:$0x3FFC];
	_ =	sdelay $0x3  }
0x97: {  	_ =	strace s6  }
0x98: {  	s6 =	sld [smem:$0x3FFD];
	_ =	sdelay $0x3  }
0x99: {  	_ =	strace s6  }
0x9a: {  	_ =	strace $0x8FFFFFFF  }
0x9b: {  	s19 =	sld [smem:$0x3FDB];
	_ =	sdelay $0x1  }
0x9c: {  	s7 =	simm.s32 $_scs_section_size  }
0x9d: {  	s8 =	simm.s32 $_size__tile_overlayer_lowered;
	s9 =	simm.s32 $_tile_overlayer_lowered  }
0x9e: {  	s22 =	simm.s32 $0x1BFF;
	s21 =	sshll.u32 s9, $0x1;
	s6 =	sadd.s32 s7, s19  }
0x9f: {  	s10 =	simm.s32 $0x0;
	s20 =	sshll.u32 s8, $0x1;
	s8 =	sadd.s32 s21, s6  }
0xa0: {  	[timem:s10], [sflag:s22] =	dma.local [hbm:s8], s20  }
0xa1: {  	_ =	swait.ge [sflag:s22], s20  }
0xa2: {  	s7 =	ssub.s32 $0x0, s20;
	[sflag:s22] =	ssyncset.done $0x0  }
0xa3: {  	[sflag:s22] =	ssyncadd.s32 s7;
	_ =	sdelay $0x1  }
0xa4: {  	s23 =	simm.s32 $0x1B8B  }
0xa5: {  	_ =	swait.ge [sflag:s23], $0x1  }
0xa6: {  	[sflag:s23] =	ssyncset.done $0x0  }
0xa7: {  	s25 =	simm.s32 $0x1B8E;
	s24 =	sld [smem:$0x3FFE];
	[sflag:s23] =	ssyncadd.s32 $0xFFFFFFFF  }
0xa8: {  	s26 =	simm.s32 $execute0_lowered;
	[smem:$0x3FD2] =	sst s25  }
0xa9: {  	s8 =	sshll.u32 s26, $0x1;
	_ =	strace $0x80000046;
	[dreg:$0x1] =	wrdreg $0xFFFFFFFF  }
0xaa: {  	s28 =	simm.s32 $_size_execute0_lowered;
	s6 =	sadd.s32 s6, s8;
	[dreg:$0x0] =	wrdreg $0x0  }
0xab: {  	s8 =	sshll.u32 s28, $0x1;
	[dreg:$0x2] =	wrdreg s6  }
0xac: {  	[dreg:$0x3] =	wrdreg s8  }
0xad: {  	[dreg:$0x4] =	wrdreg $0xC0  }
0xae: {  	_ =	task [dreg:s10], $0x5FFFF  }
0xaf: {  	[dreg:$0x1] =	wrdreg $0xFFFFFFFF  }
0xb0: {  	[dreg:$0x0] =	wrdreg $0x60  }
0xb1: {  	[dreg:$0x2] =	wrdreg s2  }
0xb2: {  	[dreg:$0x3] =	wrdreg s18  }
0xb3: {  	[dreg:$0x4] =	wrdreg s4  }
0xb4: {  	[dreg:$0x5] =	wrdreg s24  }
0xb5: {  	[dreg:$0x6] =	wrdreg s5  }
0xb6: {  	[dreg:$0x7] =	wrdreg $0x9  }
0xb7: {  	_ =	task.clear_ibuf [dreg:s10], $0x8FFFF;
	_ =	strace $0x90000046  }
0xb8: {  	s29 =	simm.s32 $0x9;
	_ =	strace $0x80000048  }
0xb9: {  	_ =	swait.ge [sflag:s29], $0x1  }
0xba: {  	[sflag:s29] =	ssyncadd.s32 $0xFFFFFFFF  }
0xbb: {  	_ =	strace $0x90000048  }
0xbc: {  	_ =	sfence  }
0xbd: {  	s30 =	sld [smem:$0x0];
	_ =	sdelay $0x2  }
0xbe: {  	s31 =	sshll.u32 s1, $0xD;
	s1 =	sshrl.u32 s1, $0x2  }
0xbf: {  	s3 =	sand.u32 $0x4000, s31;
	s1 =	sadd.s32 s1, s30  }
0xc0: {  	s0 =	sor.u32 s3, s0;
	s1 =	sshll.u32 s1, $0x11  }
0xc1: {  	s0 =	sor.u32 s1, s0  }
0xc2: {  	s0 =	sadd.s32 $0x8F2B, s0  }
0xc3: {  	[sflag:s0] =	ssyncadd.remote.s32 $0x1  }
0xc4: {  	_ =	sfence.sel $0xFFFF  }
0xc5: {  	[dreg:$0x0] =	wrdreg $0xFFFFFFFF;
	(pc) =	sbr.abs _section_cstart, $3  }
0xc6: {  	[dreg:$0x1] =	wrdreg $0xFFFFFFFF  }
0xc7: {  	_ =	task.clear_ibuf [dreg:s10], $0x2FFFF;
	_ =	strace $0x9FFFFFFF  }
0xc8: {  	(tm) =	ssettm $0x7FFFFFFF  }
0xc9: {  	_ =	shalt  }
tec
execute0_lowered:
.L_overlay_start_1:
0x0: {  	(tag) =	ssettag $0x1  }
0x1: {  	s5 =	rddreg [dreg:$0x0]  }
0x2: {  	s6 =	rddreg [dreg:$0x1]  }
0x3: {  	s7 =	rddreg [dreg:$0x2]  }
0x4: {  	s4 =	rddreg [dreg:$0x3]  }
0x5: {  	s8 =	rddreg [dreg:$0x4]  }
0x6: {  	s0 =	rddreg [dreg:$0x5];
	s1 =	simm.s32 $0x0  }
0x7: {  	s9 =	srdreg.scid;
	s2 =	stileid.u32;
	s13 =	simm.s32 $0x400  }
0x8: {  	s14 =	simm.s32 $0x600;
	s15 =	simm.s32 $0x800;
	s16 =	simm.s32 $0x3  }
0x9: {  	s17 =	simm.s32 $0xA00;
	s18 =	simm.s32 $0x0;
	[smem:$0x7FF] =	sst s1  }
0xa: {  	s3 =	sadd.s32 $0x600, s4;
	s9 =	sand.u32 $0x1, s9;
	s11 =	sshll.u32 s2, $0x7  }
0xb: {  	s4 =	sadd.s32 $0x1F000, s4;
	s10 =	ssub.s32 $0x2, s9;
	s9 =	sshll.u32 s9, $0x6  }
0xc: {  	_ =	strace $0x80000047;
	s12 =	sshrl.u32 s10, $0x1;
	s9 =	sor.u32 s9, s11  }
0xd: {  	s11 =	simm.s32 $0x1;
	s10 =	ssub.s32 s10, s12;
	s5 =	sadd.s32 s5, s9  }
0xe: {  	s6 =	sadd.s32 s6, s9;
	s7 =	sadd.s32 s7, s9;
	s8 =	sadd.s32 s8, s9  }
0xf: {  	s12 =	simm.s32 $0x2;
	s9 =	smax.u32 s10, $0x1;
	s10 =	simm.s32 $0x200  }
.LBB2_1:
0x10: {  	[tilespmem:s1], [sflag:$0x1] =	stream.linear.gather [hbm4b:s5+s1], $0x200, $0x38;
	[tilespmem:$0xC00] =	vst v63  }
0x11: {  	_ = 	snop  }
0x12: {  	[tilespmem:s10], [sflag:$0x2] =	stream.linear.gather [hbm4b:s6+s1], $0x200, $0x38;
	[tilespmem:$0xC00] =	vst v63  }
0x13: {  	_ =	swait.ge [sflag:s11], $0x200  }
0x14: {  	[sflag:s11] =	ssyncset.done $0x0  }
0x15: {  	[sflag:s11] =	ssyncadd.s32 $0xFFFFFE00  }
0x16: {  	_ =	swait.ge [sflag:s12], $0x200  }
0x17: {  	[sflag:s12] =	ssyncset.done $0x0  }
0x18: {  	[sflag:s12] =	ssyncadd.s32 $0xFFFFFE00  }
0x19: {  	[tilespmem:s13], [sflag:$0x1] =	stream.indirect.gather [hbm4b:s3+s10], $0x1, s1, s10, $0xb8;
	[tilespmem:$0xC00] =	vst v63  }
0x1a: {  	_ = 	snop  }
0x1b: {  	[tilespmem:s14], [sflag:$0x2] =	stream.indirect.gather [hbm4b:s4+s10], $0x1, s10, s10, $0xb8;
	[tilespmem:$0xC00] =	vst v63  }
0x1c: {  	_ = 	snop  }
0x1d: {  	[tilespmem:s15], [sflag:$0x3] =	stream.linear.gather [hbm4b:s7+s1], $0x200, $0x38;
	[tilespmem:$0xC00] =	vst v63  }
0x1e: {  	_ =	swait.ge [sflag:s16], $0x200  }
0x1f: {  	[sflag:s16] =	ssyncset.done $0x0  }
0x20: {  	[sflag:s16] =	ssyncadd.s32 $0xFFFFFE00  }
0x21: {  	_ =	swait.ge [sflag:s11], $0x200  }
0x22: {  	[sflag:s11] =	ssyncset.done $0x0  }
0x23: {  	[sflag:s11] =	ssyncadd.s32 $0xFFFFFE00  }
0x24: {  	_ =	swait.ge [sflag:s12], $0x200  }
0x25: {  	[sflag:s12] =	ssyncset.done $0x0  }
0x26: {  	s19 =	simm.s32 $0x0;
	[sflag:s12] =	ssyncadd.s32 $0xFFFFFE00  }
0x27: {  	v0 =	vld [tilespmem:s19+$0x400];
	_ =	sdelay $0x1  }
0x28: {  	v1 =	vld [tilespmem:s19+$0x600];
	_ =	sdelay $0x1  }
0x29: {  	v3 =	vld [tilespmem:s19+$0x800]  }
0x2a: {  	s20 =	simm.s32 $0x10;
	v2 =	vadd.f32 $-1.000000000e+00, v0  }
0x2b: {  	v0 =	vld [tilespmem:s20+$0x400]  }
0x2c: {  	v1 =	vadd.f32 v1, v2  }
0x2d: {  	v2 =	vld [tilespmem:s20+$0x600]  }
0x2e: {  	v3 =	vsub.f32 v1, v3  }
0x2f: {  	s21 =	simm.s32 $0x80;
	v1 =	vld [tilespmem:s20+$0x800]  }
.LBB2_2:
0x30: {  	s22 =	sshra.s32 s21, $0x2;
	p0 =	sne.s32 s21, $0x7C0;
	s21 =	sadd.s32 $0x40, s21;
	v4 =	vadd.f32 $-1.000000000e+00, v0;
	v3 =	vmul.f32 v3, v3  }
.Ltmp0:
0x31: {  	v0 =	vld [tilespmem:s22+$0x400];
	(pc) =	sbr.rel @p0 .LBB2_2-.Ltmp0, $4  }
0x32: {  	v4 =	vadd.f32 v2, v4;
	[tilespmem:s19+$0xA00] =	vst v3;
	s19 =	smov.u32 s20;
	s20 =	smov.u32 s22  }
0x33: {  	v2 =	vld [tilespmem:s20+$0x600]  }
0x34: {  	v3 =	vsub.f32 v4, v1  }
0x35: {  	v1 =	vld [tilespmem:s20+$0x800]  }
0x36: {  	v0 =	vadd.f32 $-1.000000000e+00, v0;
	_ =	sdelay $0x1  }
0x37: {  	v0 =	vadd.f32 v2, v0;
	_ =	sdelay $0x1  }
0x38: {  	v0 =	vsub.f32 v0, v1  }
0x39: {  	v63 =	vmul.f32 v3, v3  }
0x3a: {  	s18 =	sadd.s32 $0x1, s18;
	v0 =	vmul.f32 v0, v0  }
0x3b: {  	p0 =	sne.s32 s18, s9;
	[tilespmem:s19+$0xA00] =	vst v63  }
.Ltmp1:
0x3c: {  	[tilespmem:s20+$0xA00] =	vst v0;
	(pc) =	sbr.rel @p0 .LBB2_1-.Ltmp1, $4  }
0x3d: {  	[hbm4b:s8+s1] =	stream.linear.scatter [tilespmem:s17], [sflag:$0x3], $0x200, $0x38;
	[tilespmem:$0xC00] =	vst v63  }
0x3e: {  	_ =	swait.ge [sflag:s16], $0x200  }
0x3f: {  	[sflag:s16] =	ssyncset.done $0x0  }
0x40: {  	[sflag:s16] =	ssyncadd.s32 $0xFFFFFE00  }
0x41: {  	_ =	sfence.sel $0x180000  }
0x42: {  	[bflag:$0x0] =	sbarrier.arrive $0xFFFF  }
0x43: {  	p0 =	sne.s32 s2, $0x0;
	_ =	strace $0x90000047  }
0x44: {  	s0 =	sadd.s32 @!p0 $0x100000, s0;
	[bflag:$0x2] =	sbarrier.arrive $0xFFFF  }
0x45: {  	[sflag:s0] =	ssyncadd.tile.s32 @!p0 $0x1;
	_ =	shalt  }
.Lfunc_end2:
_tile_overlayer_lowered:
.L_overlay_start_2:
0x46: {  	(tag) =	ssettag $0x2  }
0x47: {  	s0 =	rddreg [dreg:$0x0];
	s2 =	stileid.u32  }
0x48: {  	s1 =	rddreg [dreg:$0x1];
	p0 =	sne.s32 s2, $0x0  }
0x49: {  	s3 =	rddreg [dreg:$0x2];
	[bflag:$0x3] =	sbarrier.arrive $0xFFFF;
	s2 =	simm.s32 @!p0 $0x1C03  }
0x4a: {  	[timem:s3], [sflag:s2] =	dma.local @!p0 [hbm:s0], s1  }
0x4b: {  	s0 =	simm.s32 @!p0 $0x3  }
0x4c: {  	_ =	swait.ge @!p0 [sflag:s0], s1  }
0x4d: {  	s1 =	ssub.s32 @!p0 $0x0, s1;
	[sflag:s0] =	ssyncset.done @!p0 $0x0  }
0x4e: {  	[sflag:s0] =	ssyncadd.s32 @!p0 s1  }
0x4f: {  	[bflag:$0x3] =	sbarrier.arrive $0xFFFF  }
0x50: {  	_ =	shalt  }

</sc_bundles>
